<compile_context>
chip_gen: v7x
topology: tpu7x:2x2x1
jax: 0.10.2.dev20260603
libtpu: 0.0.44.dev20260713+nightly
codegen_flags: <defaults>
</compile_context>

<pallas_src>
import functools

import jax
import jax.numpy as jnp
from jax.experimental import pallas as pl
from jax.experimental.pallas import tpu as pltpu
from jax.experimental.pallas import tpu_sc as plsc

B = 1024
F = 100000
D = 64
QD = 2 * D
K = 5
NBLK = 50
BLK = F // NBLK
RW = 16


def _topk_body(q_ref, q2_ref, k_ref, k2_ref, out_v_ref, out_i_ref,
               rv_ref, ri_ref):
    blk = pl.program_id(0)

    @pl.when(blk == 0)
    def _init():
        rv_ref[...] = jnp.full((B, RW), jnp.inf, jnp.float32)
        ri_ref[...] = jnp.zeros((B, RW), jnp.int32)

    q = q_ref[...]
    kb = k_ref[...]
    qk = jax.lax.dot_general(q, kb, (((1,), (1,)), ((), ())),
                             preferred_element_type=jnp.float32)
    d2 = (q2_ref[...] - 2.0 * qk) + k2_ref[0]

    rv = rv_ref[...]
    ri = ri_ref[...]
    itb = jax.lax.broadcasted_iota(jnp.int32, (B, BLK), 1)
    it16 = jax.lax.broadcasted_iota(jnp.int32, (B, RW), 1)
    BIG = jnp.int32(2 ** 30)
    INF = jnp.float32(jnp.inf)
    base = blk * BLK

    vs, gs = [], []
    for _ in range(K):
        vb = jnp.min(d2, axis=1, keepdims=True)
        cb = jnp.min(jnp.where(d2 == vb, itb, BIG), axis=1, keepdims=True)
        vr = jnp.min(rv, axis=1, keepdims=True)
        cr = jnp.min(jnp.where(rv == vr, it16, BIG), axis=1, keepdims=True)
        gr = jnp.min(jnp.where(it16 == cr, ri, BIG), axis=1, keepdims=True)
        take_run = vr <= vb
        v = jnp.where(take_run, vr, vb)
        g = jnp.where(take_run, gr, base + cb)
        vs.append(v)
        gs.append(g)
        rv = jnp.where((it16 == cr) & take_run, INF, rv)
        d2 = jnp.where((itb == cb) & (~take_run), INF, d2)

    rv_new = jnp.concatenate(
        vs + [jnp.full((B, RW - K), jnp.inf, jnp.float32)], axis=1)
    ri_new = jnp.concatenate(
        gs + [jnp.zeros((B, RW - K), jnp.int32)], axis=1)
    rv_ref[...] = rv_new
    ri_ref[...] = ri_new

    @pl.when(blk == NBLK - 1)
    def _finish():
        out_v_ref[...] = jnp.exp(rv_new * -0.5)
        out_i_ref[...] = ri_new


def _topk_call(batch_q, q2, keys, k2):
    return pl.pallas_call(
        _topk_body,
        grid=(NBLK,),
        in_specs=[
            pl.BlockSpec((B, QD), lambda i: (0, 0)),
            pl.BlockSpec((B, 1), lambda i: (0, 0)),
            pl.BlockSpec((BLK, QD), lambda i: (i, 0)),
            pl.BlockSpec((1, 1, BLK), lambda i: (i, 0, 0)),
        ],
        out_specs=[
            pl.BlockSpec((B, RW), lambda i: (0, 0)),
            pl.BlockSpec((B, RW), lambda i: (0, 0)),
        ],
        out_shape=[
            jax.ShapeDtypeStruct((B, RW), jnp.float32),
            jax.ShapeDtypeStruct((B, RW), jnp.int32),
        ],
        scratch_shapes=[
            pltpu.VMEM((B, RW), jnp.float32),
            pltpu.VMEM((B, RW), jnp.int32),
        ],
    )(batch_q, q2, keys, k2)


NW = 32
BPW = (B * K) // NW
GW = 128


@functools.lru_cache(maxsize=None)
def _make_sc_gather():
    mesh = plsc.VectorSubcoreMesh(core_axis_name="c", subcore_axis_name="s")

    @functools.partial(
        pl.kernel, mesh=mesh,
        out_type=jax.ShapeDtypeStruct((B * K, GW), jnp.float32),
        scratch_types=[
            pltpu.VMEM((BPW,), jnp.int32),
            pltpu.VMEM((BPW, GW), jnp.float32),
            pltpu.SemaphoreType.DMA,
        ],
    )
    def _gather(idx_hbm, table_hbm, out_hbm, idx_v, rows_v, sem):
        wid = jax.lax.axis_index("s") * 2 + jax.lax.axis_index("c")
        base = wid * BPW
        pltpu.sync_copy(idx_hbm.at[pl.ds(base, BPW)], idx_v)
        pltpu.async_copy(table_hbm.at[idx_v], rows_v, sem).wait()
        pltpu.sync_copy(rows_v, out_hbm.at[pl.ds(base, BPW)])

    return _gather


def kernel(rel, arg1, fact_rel, fact_arg1, fact_arg2):
    batch_q = jnp.concatenate([rel, arg1], axis=1)
    keys = jnp.concatenate([fact_rel, fact_arg1], axis=1)
    q2 = jnp.sum(batch_q ** 2, axis=1, keepdims=True)
    k2 = jnp.sum(keys ** 2, axis=1).reshape(NBLK, 1, BLK)
    scores16, idx16 = _topk_call(batch_q, q2, keys, k2)
    scores = scores16[:, :K]
    idx = idx16[:, :K]
    table = jnp.concatenate([fact_arg2, fact_arg2], axis=1)
    subs = _make_sc_gather()(idx.reshape(-1), table)[:, :D].reshape(B, K, D)
    return scores, subs

# --- scband reference (transcript-rebuilt; emitter-appended) ---
"""Pipeline reference for scband-neural-kb-37701222924639 (READ-ONLY COPY).

The authoritative reference and input builder live on the scoring server;
editing this copy changes nothing except your own understanding.
"""

import jax, jax.numpy as jnp
import numpy as np

K_NEIGH = 5
SLOPE = 1.0


def gaussian_kernel(a, b):
    # GNTP-style Gaussian/RBF kernel: exp(-||a-b||^2 / (2*slope^2))
    d2 = jnp.sum((a - b) ** 2, axis=-1)
    return jnp.exp(-d2 / (2.0 * SLOPE ** 2))


def knn_l2(queries, keys, k):
    # exact brute-force L2 nearest neighbors (what Index.build/query does)
    q2 = jnp.sum(queries ** 2, axis=1, keepdims=True)
    k2 = jnp.sum(keys ** 2, axis=1)
    d2 = q2 - 2.0 * (queries @ keys.T) + k2[None, :]
    _, idx = jax.lax.top_k(-d2, k)
    return idx


def setup_inputs(seed: int = 0) -> dict:
    key = jax.random.key(seed)
    ks = jax.random.split(key, 5)
    B, F, D = 1024, 100000, 64
    return {
        "rel": jax.random.normal(ks[0], (B, D), dtype=jnp.float32),
        "arg1": jax.random.normal(ks[1], (B, D), dtype=jnp.float32),
        "fact_rel": jax.random.normal(ks[2], (F, D), dtype=jnp.float32),
        "fact_arg1": jax.random.normal(ks[3], (F, D), dtype=jnp.float32),
        "fact_arg2": jax.random.normal(ks[4], (F, D), dtype=jnp.float32),
    }


def reference(rel, arg1, fact_rel, fact_arg1, fact_arg2):
    # NeuralKB.forward with arg1 given, arg2=None -> res_sp branch
    B, D = rel.shape
    F = fact_rel.shape[0]
    k = min(K_NEIGH, F)
    # neighbors(): build sp index over concat(fact_rel, fact_arg1), query concat(rel, arg1)
    fact_emb_sp = jnp.concatenate([fact_rel, fact_arg1], axis=1)
    batch_q = jnp.concatenate([rel, arg1], axis=1)
    neigh_sp = knn_l2(batch_q, fact_emb_sp, k)  # [B, k] int32
    # f_emb = concat of all fact embeddings, used as a frozen embedding table
    f_emb = jnp.concatenate([fact_rel, fact_arg1, fact_arg2], axis=1)
    flat_idx = neigh_sp.reshape(-1)
    batch_rel = jnp.repeat(rel[:, None, :], k, axis=1).reshape(-1, D)
    batch_arg1 = jnp.repeat(arg1[:, None, :], k, axis=1).reshape(-1, D)
    batch_arg2 = jnp.take(fact_arg2, flat_idx, axis=0)  # embedding lookup
    batch_emb = jnp.concatenate([batch_rel, batch_arg1, batch_arg2], axis=1)
    fact_e = jnp.take(f_emb, flat_idx, axis=0)  # embedding lookup
    scores_sp = gaussian_kernel(batch_emb, fact_e).reshape(B, k)
    subs_sp = batch_arg2.reshape(B, k, D)
    return scores_sp, subs_sp

if __name__ == "__main__":
    import jax
    _d = setup_inputs()
    print(jax.jit(kernel)(*tuple(_d.values())))

</pallas_src>

<mosaic_0001>
#map = affine_map<(d0, d1) -> (0)>
#map1 = affine_map<(d0, d1) -> (0, 0)>
module attributes {stable_mosaic.version = 14 : i64} {
  func.func @_gather(%arg0: i32, %arg1: i32, %arg2: memref<5120xi32, #tpu.memory_space<hbm>>, %arg3: memref<100000x128xf32, #tpu.memory_space<hbm>>, %arg4: memref<5120x128xf32, #tpu.memory_space<hbm>>, %arg5: memref<160xi32, #tpu.memory_space<vmem>>, %arg6: memref<160x128xf32, #tpu.memory_space<vmem>>, %arg7: memref<!tpu.dma_semaphore, #tpu.memory_space<semaphore_mem>>) attributes {dimension_semantics = [#tpu.dimension_semantics<core_parallel>, #tpu.dimension_semantics<subcore_parallel>], iteration_bounds = array<i64: 2, 16>, scalar_prefetch = 0 : i64, scratch_operands = 3 : i64, tpu.core_type = #tpu.core_type<sc_vector_subcore>, window_params = [{transform_indices = #map}, {transform_indices = #map1}, {transform_indices = #map1}]} {
    %mul3A = arith.constant 2 : i32
    %mul3A_0 = arith.muli %arg1, %mul3A : i32
    %add3A = arith.addi %mul3A_0, %arg0 : i32
    %mul3A_1 = arith.constant 160 : i32
    %mul3A_2 = arith.muli %add3A, %mul3A_1 : i32
    "tpu.region"() ({
      %run_scoped3A = tpu.sem_alloc : memref<!tpu.dma_semaphore, #tpu.memory_space<semaphore_mem>>
      %dma_start3A_7 = tpu.memref_slice %arg2[%mul3A_2] : memref<5120xi32, #tpu.memory_space<hbm>> -> memref<160xi32, #tpu.memory_space<hbm>>
      %dma_start3A_8 = tpu.memref_slice %arg2[%mul3A_2] : memref<5120xi32, #tpu.memory_space<hbm>> -> memref<160xi32, #tpu.memory_space<hbm>>
      tpu.enqueue_dma source(%dma_start3A_8 : memref<160xi32, #tpu.memory_space<hbm>>) target(%arg5 : memref<160xi32, #tpu.memory_space<vmem>>) target_semaphore(%run_scoped3A : memref<!tpu.dma_semaphore, #tpu.memory_space<semaphore_mem>>)
      %dma_wait3A_9 = tpu.memref_slice %arg2[%mul3A_2] : memref<5120xi32, #tpu.memory_space<hbm>> -> memref<160xi32, #tpu.memory_space<hbm>>
      %dma_wait3A_10 = tpu.memref_slice %arg2[%mul3A_2] : memref<5120xi32, #tpu.memory_space<hbm>> -> memref<160xi32, #tpu.memory_space<hbm>>
      tpu.wait_dma2 semaphore(%run_scoped3A : memref<!tpu.dma_semaphore, #tpu.memory_space<semaphore_mem>>) src(%dma_wait3A_10 : memref<160xi32, #tpu.memory_space<hbm>>) dst(%arg5 : memref<160xi32, #tpu.memory_space<vmem>>)
      tpu.yield
    }) : () -> ()
    %dma_start3A = arith.constant 0 : i32
    %dma_start3A_3 = arith.constant 0 : i32
    %dma_start3A_4 = tpu.memref_slice %arg3[%dma_start3A, %dma_start3A_3] : memref<100000x128xf32, #tpu.memory_space<hbm>> -> memref<100000x128xf32, #tpu.memory_space<hbm>>
    tpu.enqueue_indirect_dma source(%dma_start3A_4 : memref<100000x128xf32, #tpu.memory_space<hbm>>) target(%arg6 : memref<160x128xf32, #tpu.memory_space<vmem>>) offsets(%arg5 : memref<160xi32, #tpu.memory_space<vmem>>) semaphore(%arg7 : memref<!tpu.dma_semaphore, #tpu.memory_space<semaphore_mem>>)
    %dma_wait3A = arith.constant 0 : i32
    %dma_wait3A_5 = arith.constant 0 : i32
    %dma_wait3A_6 = tpu.memref_slice %arg3[%dma_wait3A, %dma_wait3A_5] : memref<100000x128xf32, #tpu.memory_space<hbm>> -> memref<100000x128xf32, #tpu.memory_space<hbm>>
    tpu.wait_indirect_dma semaphore(%arg7 : memref<!tpu.dma_semaphore, #tpu.memory_space<semaphore_mem>>) src(%dma_wait3A_6 : memref<100000x128xf32, #tpu.memory_space<hbm>>) dst(%arg6 : memref<160x128xf32, #tpu.memory_space<vmem>>)
    "tpu.region"() ({
      %run_scoped3A = tpu.sem_alloc : memref<!tpu.dma_semaphore, #tpu.memory_space<semaphore_mem>>
      %dma_start3A_7 = arith.constant 0 : i32
      %dma_start3A_8 = tpu.memref_slice %arg4[%mul3A_2, %dma_start3A_7] : memref<5120x128xf32, #tpu.memory_space<hbm>> -> memref<160x128xf32, #tpu.memory_space<hbm>>
      %dma_start3A_9 = arith.constant 0 : i32
      %dma_start3A_10 = tpu.memref_slice %arg4[%mul3A_2, %dma_start3A_9] : memref<5120x128xf32, #tpu.memory_space<hbm>> -> memref<160x128xf32, #tpu.memory_space<hbm>>
      tpu.enqueue_dma source(%arg6 : memref<160x128xf32, #tpu.memory_space<vmem>>) target(%dma_start3A_10 : memref<160x128xf32, #tpu.memory_space<hbm>>) target_semaphore(%run_scoped3A : memref<!tpu.dma_semaphore, #tpu.memory_space<semaphore_mem>>)
      %dma_wait3A_11 = arith.constant 0 : i32
      %dma_wait3A_12 = tpu.memref_slice %arg4[%mul3A_2, %dma_wait3A_11] : memref<5120x128xf32, #tpu.memory_space<hbm>> -> memref<160x128xf32, #tpu.memory_space<hbm>>
      %dma_wait3A_13 = arith.constant 0 : i32
      %dma_wait3A_14 = tpu.memref_slice %arg4[%mul3A_2, %dma_wait3A_13] : memref<5120x128xf32, #tpu.memory_space<hbm>> -> memref<160x128xf32, #tpu.memory_space<hbm>>
      tpu.wait_dma2 semaphore(%run_scoped3A : memref<!tpu.dma_semaphore, #tpu.memory_space<semaphore_mem>>) src(%arg6 : memref<160x128xf32, #tpu.memory_space<vmem>>) dst(%dma_wait3A_14 : memref<160x128xf32, #tpu.memory_space<hbm>>)
      tpu.yield
    }) : () -> ()
    return
  }
}

module attributes {stable_mosaic.version = 14 : i64} {
  func.func @_topk_body(%arg0: i32, %arg1: memref<1024x128xf32, #tpu.memory_space<vmem>>, %arg2: memref<1024x1xf32, #tpu.memory_space<vmem>>, %arg3: memref<2000x128xf32, #tpu.memory_space<vmem>>, %arg4: memref<1x1x2000xf32, #tpu.memory_space<vmem>>, %arg5: memref<1024x16xf32, #tpu.memory_space<vmem>>, %arg6: memref<1024x16xi32, #tpu.memory_space<vmem>>, %arg7: memref<1024x16xf32, #tpu.memory_space<vmem>>, %arg8: memref<1024x16xi32, #tpu.memory_space<vmem>>) attributes {dimension_semantics = [#tpu.dimension_semantics<arbitrary>], iteration_bounds = array<i64: 50>, scalar_prefetch = 0 : i64, scratch_operands = 2 : i64, tpu.core_type = #tpu.core_type<tc>, window_params = [{pipeline_mode = #tpu.pipeline_mode<synchronous>, transform_indices = @transform_0, window_bounds = array<i64: 1024, 128>}, {pipeline_mode = #tpu.pipeline_mode<synchronous>, transform_indices = @transform_1, window_bounds = array<i64: 1024, 1>}, {transform_indices = @transform_2, window_bounds = array<i64: 2000, 128>}, {transform_indices = @transform_3, window_bounds = array<i64: 1, 1, 2000>}, {pipeline_mode = #tpu.pipeline_mode<synchronous>, transform_indices = @transform_4, window_bounds = array<i64: 1024, 16>}, {pipeline_mode = #tpu.pipeline_mode<synchronous>, transform_indices = @transform_5, window_bounds = array<i64: 1024, 16>}]} {
    %eq3A = arith.constant 0 : i32
    %eq3A_0 = arith.cmpi eq, %arg0, %eq3A : i32
    %convert_element_type3A = arith.extui %eq3A_0 : i1 to i32
    %cond3A = arith.constant 0 : i32
    %cond3A_1 = arith.cmpi ne, %convert_element_type3A, %cond3A : i32
    scf.if %cond3A_1 {
      %broadcast_in_dim3A_276 = arith.constant 0x7F800000 : f32
      %broadcast_in_dim3A_277 = vector.broadcast %broadcast_in_dim3A_276 : f32 to vector<1024x16xf32>
      %swap3A_278 = arith.constant 0 : index
      %swap3A_279 = arith.constant 0 : index
      %swap3A_280 = vector.load %arg7[%swap3A_278, %swap3A_279] : memref<1024x16xf32, #tpu.memory_space<vmem>>, vector<1024x16xf32>
      tpu.vector_store %arg7[%swap3A_278, %swap3A_279], %broadcast_in_dim3A_277 {strides = array<i32>} : memref<1024x16xf32, #tpu.memory_space<vmem>>, vector<1024x16xf32>,
      %broadcast_in_dim3A_281 = arith.constant 0 : i32
      %broadcast_in_dim3A_282 = vector.broadcast %broadcast_in_dim3A_281 : i32 to vector<1024x16xi32>
      %swap3A_283 = arith.constant 0 : index
      %swap3A_284 = arith.constant 0 : index
      %swap3A_285 = vector.load %arg8[%swap3A_283, %swap3A_284] : memref<1024x16xi32, #tpu.memory_space<vmem>>, vector<1024x16xi32>
      tpu.vector_store %arg8[%swap3A_283, %swap3A_284], %broadcast_in_dim3A_282 {strides = array<i32>} : memref<1024x16xi32, #tpu.memory_space<vmem>>, vector<1024x16xi32>,
    } else {
    }
    %get3A = arith.constant 0 : index
    %get3A_2 = arith.constant 0 : index
    %get3A_3 = vector.load %arg1[%get3A, %get3A_2] : memref<1024x128xf32, #tpu.memory_space<vmem>>, vector<1024x128xf32>
    %get3A_4 = arith.constant 0 : index
    %get3A_5 = arith.constant 0 : index
    %get3A_6 = vector.load %arg3[%get3A_4, %get3A_5] : memref<2000x128xf32, #tpu.memory_space<vmem>>, vector<2000x128xf32>
    %dot_general3A = arith.constant dense<0.000000e+00> : vector<1024x2000xf32>
    %dot_general3A_7 = tpu.matmul %get3A_3, %get3A_6, %dot_general3A {dimension_numbers = #tpu.dot_dimension_numbers<[1], [1], [0], [0], [0, 0, 1, 0], [], []>, transpose_lhs_hint = false} : vector<1024x128xf32>, vector<2000x128xf32>, vector<1024x2000xf32> -> vector<1024x2000xf32>
    %get3A_8 = arith.constant 0 : index
    %get3A_9 = arith.constant 0 : index
    %get3A_10 = vector.load %arg2[%get3A_8, %get3A_9] : memref<1024x1xf32, #tpu.memory_space<vmem>>, vector<1024x1xf32>
    %mul3A = arith.constant 2.000000e+00 : f32
    %mul3A_11 = vector.broadcast %mul3A : f32 to vector<1024x2000xf32>
    %mul3A_12 = arith.mulf %mul3A_11, %dot_general3A_7 : vector<1024x2000xf32>
    %sub3A = vector.broadcast %get3A_10 : vector<1024x1xf32> to vector<1024x2000xf32>
    %sub3A_13 = arith.subf %sub3A, %mul3A_12 : vector<1024x2000xf32>
    %get3A_14 = arith.constant 0 : index
    %get3A_15 = arith.constant 0 : index
    %get3A_16 = arith.constant 0 : index
    %get3A_17 = vector.load %arg4[%get3A_14, %get3A_15, %get3A_16] : memref<1x1x2000xf32, #tpu.memory_space<vmem>>, vector<1x1x2000xf32>
    %get3A_18 = vector.shape_cast %get3A_17 : vector<1x1x2000xf32> to vector<1x2000xf32>
    %add3A = vector.broadcast %get3A_18 : vector<1x2000xf32> to vector<1024x2000xf32>
    %add3A_19 = arith.addf %sub3A_13, %add3A : vector<1024x2000xf32>
    %get3A_20 = arith.constant 0 : index
    %get3A_21 = arith.constant 0 : index
    %get3A_22 = vector.load %arg7[%get3A_20, %get3A_21] : memref<1024x16xf32, #tpu.memory_space<vmem>>, vector<1024x16xf32>
    %get3A_23 = arith.constant 0 : index
    %get3A_24 = arith.constant 0 : index
    %get3A_25 = vector.load %arg8[%get3A_23, %get3A_24] : memref<1024x16xi32, #tpu.memory_space<vmem>>, vector<1024x16xi32>
    %iota3A = tpu.iota {dimensions = array<i32: 1>} : vector<1024x2000xi32>
    %iota3A_26 = tpu.iota {dimensions = array<i32: 1>} : vector<1024x16xi32>
    %mul3A_27 = arith.constant 2000 : i32
    %mul3A_28 = arith.muli %arg0, %mul3A_27 : i32
    %reduce_min3A = arith.constant dense<0x7F800000> : vector<1024xf32>
    %reduce_min3A_29 = vector.multi_reduction <minimumf>, %add3A_19, %reduce_min3A [1] : vector<1024x2000xf32> to vector<1024xf32>
    %broadcast_in_dim3A = vector.shape_cast %reduce_min3A_29 : vector<1024xf32> to vector<1024x1xf32>
    %eq3A_30 = vector.broadcast %broadcast_in_dim3A : vector<1024x1xf32> to vector<1024x2000xf32>
    %eq3A_31 = arith.cmpf oeq, %add3A_19, %eq3A_30 : vector<1024x2000xf32>
    %jit3A = arith.constant 1073741824 : i32
    %broadcast_in_dim3A_32 = vector.broadcast %jit3A : i32 to vector<1024x2000xi32>
    %select_n3A = arith.select %eq3A_31, %iota3A, %broadcast_in_dim3A_32 : vector<1024x2000xi1>, vector<1024x2000xi32>
    %reduce_min3A_33 = arith.constant dense<2147483647> : vector<1024xi32>
    %reduce_min3A_34 = vector.multi_reduction <minsi>, %select_n3A, %reduce_min3A_33 [1] : vector<1024x2000xi32> to vector<1024xi32>
    %broadcast_in_dim3A_35 = vector.shape_cast %reduce_min3A_34 : vector<1024xi32> to vector<1024x1xi32>
    %reduce_min3A_36 = arith.constant dense<0x7F800000> : vector<1024xf32>
    %reduce_min3A_37 = vector.multi_reduction <minimumf>, %get3A_22, %reduce_min3A_36 [1] : vector<1024x16xf32> to vector<1024xf32>
    %broadcast_in_dim3A_38 = vector.shape_cast %reduce_min3A_37 : vector<1024xf32> to vector<1024x1xf32>
    %eq3A_39 = vector.broadcast %broadcast_in_dim3A_38 : vector<1024x1xf32> to vector<1024x16xf32>
    %eq3A_40 = arith.cmpf oeq, %get3A_22, %eq3A_39 : vector<1024x16xf32>
    %jit3A_41 = arith.constant 1073741824 : i32
    %broadcast_in_dim3A_42 = vector.broadcast %jit3A_41 : i32 to vector<1024x16xi32>
    %select_n3A_43 = arith.select %eq3A_40, %iota3A_26, %broadcast_in_dim3A_42 : vector<1024x16xi1>, vector<1024x16xi32>
    %reduce_min3A_44 = arith.constant dense<2147483647> : vector<1024xi32>
    %reduce_min3A_45 = vector.multi_reduction <minsi>, %select_n3A_43, %reduce_min3A_44 [1] : vector<1024x16xi32> to vector<1024xi32>
    %broadcast_in_dim3A_46 = vector.shape_cast %reduce_min3A_45 : vector<1024xi32> to vector<1024x1xi32>
    %eq3A_47 = vector.broadcast %broadcast_in_dim3A_46 : vector<1024x1xi32> to vector<1024x16xi32>
    %eq3A_48 = arith.cmpi eq, %iota3A_26, %eq3A_47 : vector<1024x16xi32>
    %jit3A_49 = arith.constant 1073741824 : i32
    %broadcast_in_dim3A_50 = vector.broadcast %jit3A_49 : i32 to vector<1024x16xi32>
    %select_n3A_51 = arith.select %eq3A_48, %get3A_25, %broadcast_in_dim3A_50 : vector<1024x16xi1>, vector<1024x16xi32>
    %reduce_min3A_52 = arith.constant dense<2147483647> : vector<1024xi32>
    %reduce_min3A_53 = vector.multi_reduction <minsi>, %select_n3A_51, %reduce_min3A_52 [1] : vector<1024x16xi32> to vector<1024xi32>
    %broadcast_in_dim3A_54 = vector.shape_cast %reduce_min3A_53 : vector<1024xi32> to vector<1024x1xi32>
    %le3A = arith.cmpf ole, %broadcast_in_dim3A_38, %broadcast_in_dim3A : vector<1024x1xf32>
    %select_n3A_55 = arith.select %le3A, %broadcast_in_dim3A_38, %broadcast_in_dim3A : vector<1024x1xi1>, vector<1024x1xf32>
    %add3A_56 = vector.broadcast %mul3A_28 : i32 to vector<1024x1xi32>
    %add3A_57 = arith.addi %add3A_56, %broadcast_in_dim3A_35 : vector<1024x1xi32>
    %select_n3A_58 = arith.select %le3A, %broadcast_in_dim3A_54, %add3A_57 : vector<1024x1xi1>, vector<1024x1xi32>
    %eq3A_59 = vector.broadcast %broadcast_in_dim3A_46 : vector<1024x1xi32> to vector<1024x16xi32>
    %eq3A_60 = arith.cmpi eq, %iota3A_26, %eq3A_59 : vector<1024x16xi32>
    %and3A = vector.broadcast %le3A : vector<1024x1xi1> to vector<1024x16xi1>
    %and3A_61 = arith.andi %eq3A_60, %and3A : vector<1024x16xi1>
    %jit3A_62 = arith.constant 0x7F800000 : f32
    %broadcast_in_dim3A_63 = vector.broadcast %jit3A_62 : f32 to vector<1024x16xf32>
    %select_n3A_64 = arith.select %and3A_61, %broadcast_in_dim3A_63, %get3A_22 : vector<1024x16xi1>, vector<1024x16xf32>
    %eq3A_65 = vector.broadcast %broadcast_in_dim3A_35 : vector<1024x1xi32> to vector<1024x2000xi32>
    %eq3A_66 = arith.cmpi eq, %iota3A, %eq3A_65 : vector<1024x2000xi32>
    %not3A = arith.constant dense<true> : vector<1024x1xi1>
    %not3A_67 = arith.xori %le3A, %not3A : vector<1024x1xi1>
    %and3A_68 = vector.broadcast %not3A_67 : vector<1024x1xi1> to vector<1024x2000xi1>
    %and3A_69 = arith.andi %eq3A_66, %and3A_68 : vector<1024x2000xi1>
    %jit3A_70 = arith.constant 0x7F800000 : f32
    %broadcast_in_dim3A_71 = vector.broadcast %jit3A_70 : f32 to vector<1024x2000xf32>
    %select_n3A_72 = arith.select %and3A_69, %broadcast_in_dim3A_71, %add3A_19 : vector<1024x2000xi1>, vector<1024x2000xf32>
    %reduce_min3A_73 = arith.constant dense<0x7F800000> : vector<1024xf32>
    %reduce_min3A_74 = vector.multi_reduction <minimumf>, %select_n3A_72, %reduce_min3A_73 [1] : vector<1024x2000xf32> to vector<1024xf32>
    %broadcast_in_dim3A_75 = vector.shape_cast %reduce_min3A_74 : vector<1024xf32> to vector<1024x1xf32>
    %eq3A_76 = vector.broadcast %broadcast_in_dim3A_75 : vector<1024x1xf32> to vector<1024x2000xf32>
    %eq3A_77 = arith.cmpf oeq, %select_n3A_72, %eq3A_76 : vector<1024x2000xf32>
    %jit3A_78 = arith.constant 1073741824 : i32
    %broadcast_in_dim3A_79 = vector.broadcast %jit3A_78 : i32 to vector<1024x2000xi32>
    %select_n3A_80 = arith.select %eq3A_77, %iota3A, %broadcast_in_dim3A_79 : vector<1024x2000xi1>, vector<1024x2000xi32>
    %reduce_min3A_81 = arith.constant dense<2147483647> : vector<1024xi32>
    %reduce_min3A_82 = vector.multi_reduction <minsi>, %select_n3A_80, %reduce_min3A_81 [1] : vector<1024x2000xi32> to vector<1024xi32>
    %broadcast_in_dim3A_83 = vector.shape_cast %reduce_min3A_82 : vector<1024xi32> to vector<1024x1xi32>
    %reduce_min3A_84 = arith.constant dense<0x7F800000> : vector<1024xf32>
    %reduce_min3A_85 = vector.multi_reduction <minimumf>, %select_n3A_64, %reduce_min3A_84 [1] : vector<1024x16xf32> to vector<1024xf32>
    %broadcast_in_dim3A_86 = vector.shape_cast %reduce_min3A_85 : vector<1024xf32> to vector<1024x1xf32>
    %eq3A_87 = vector.broadcast %broadcast_in_dim3A_86 : vector<1024x1xf32> to vector<1024x16xf32>
    %eq3A_88 = arith.cmpf oeq, %select_n3A_64, %eq3A_87 : vector<1024x16xf32>
    %jit3A_89 = arith.constant 1073741824 : i32
    %broadcast_in_dim3A_90 = vector.broadcast %jit3A_89 : i32 to vector<1024x16xi32>
    %select_n3A_91 = arith.select %eq3A_88, %iota3A_26, %broadcast_in_dim3A_90 : vector<1024x16xi1>, vector<1024x16xi32>
    %reduce_min3A_92 = arith.constant dense<2147483647> : vector<1024xi32>
    %reduce_min3A_93 = vector.multi_reduction <minsi>, %select_n3A_91, %reduce_min3A_92 [1] : vector<1024x16xi32> to vector<1024xi32>
    %broadcast_in_dim3A_94 = vector.shape_cast %reduce_min3A_93 : vector<1024xi32> to vector<1024x1xi32>
    %eq3A_95 = vector.broadcast %broadcast_in_dim3A_94 : vector<1024x1xi32> to vector<1024x16xi32>
    %eq3A_96 = arith.cmpi eq, %iota3A_26, %eq3A_95 : vector<1024x16xi32>
    %jit3A_97 = arith.constant 1073741824 : i32
    %broadcast_in_dim3A_98 = vector.broadcast %jit3A_97 : i32 to vector<1024x16xi32>
    %select_n3A_99 = arith.select %eq3A_96, %get3A_25, %broadcast_in_dim3A_98 : vector<1024x16xi1>, vector<1024x16xi32>
    %reduce_min3A_100 = arith.constant dense<2147483647> : vector<1024xi32>
    %reduce_min3A_101 = vector.multi_reduction <minsi>, %select_n3A_99, %reduce_min3A_100 [1] : vector<1024x16xi32> to vector<1024xi32>
    %broadcast_in_dim3A_102 = vector.shape_cast %reduce_min3A_101 : vector<1024xi32> to vector<1024x1xi32>
    %le3A_103 = arith.cmpf ole, %broadcast_in_dim3A_86, %broadcast_in_dim3A_75 : vector<1024x1xf32>
    %select_n3A_104 = arith.select %le3A_103, %broadcast_in_dim3A_86, %broadcast_in_dim3A_75 : vector<1024x1xi1>, vector<1024x1xf32>
    %add3A_105 = vector.broadcast %mul3A_28 : i32 to vector<1024x1xi32>
    %add3A_106 = arith.addi %add3A_105, %broadcast_in_dim3A_83 : vector<1024x1xi32>
    %select_n3A_107 = arith.select %le3A_103, %broadcast_in_dim3A_102, %add3A_106 : vector<1024x1xi1>, vector<1024x1xi32>
    %eq3A_108 = vector.broadcast %broadcast_in_dim3A_94 : vector<1024x1xi32> to vector<1024x16xi32>
    %eq3A_109 = arith.cmpi eq, %iota3A_26, %eq3A_108 : vector<1024x16xi32>
    %and3A_110 = vector.broadcast %le3A_103 : vector<1024x1xi1> to vector<1024x16xi1>
    %and3A_111 = arith.andi %eq3A_109, %and3A_110 : vector<1024x16xi1>
    %jit3A_112 = arith.constant 0x7F800000 : f32
    %broadcast_in_dim3A_113 = vector.broadcast %jit3A_112 : f32 to vector<1024x16xf32>
    %select_n3A_114 = arith.select %and3A_111, %broadcast_in_dim3A_113, %select_n3A_64 : vector<1024x16xi1>, vector<1024x16xf32>
    %eq3A_115 = vector.broadcast %broadcast_in_dim3A_83 : vector<1024x1xi32> to vector<1024x2000xi32>
    %eq3A_116 = arith.cmpi eq, %iota3A, %eq3A_115 : vector<1024x2000xi32>
    %not3A_117 = arith.constant dense<true> : vector<1024x1xi1>
    %not3A_118 = arith.xori %le3A_103, %not3A_117 : vector<1024x1xi1>
    %and3A_119 = vector.broadcast %not3A_118 : vector<1024x1xi1> to vector<1024x2000xi1>
    %and3A_120 = arith.andi %eq3A_116, %and3A_119 : vector<1024x2000xi1>
    %jit3A_121 = arith.constant 0x7F800000 : f32
    %broadcast_in_dim3A_122 = vector.broadcast %jit3A_121 : f32 to vector<1024x2000xf32>
    %select_n3A_123 = arith.select %and3A_120, %broadcast_in_dim3A_122, %select_n3A_72 : vector<1024x2000xi1>, vector<1024x2000xf32>
    %reduce_min3A_124 = arith.constant dense<0x7F800000> : vector<1024xf32>
    %reduce_min3A_125 = vector.multi_reduction <minimumf>, %select_n3A_123, %reduce_min3A_124 [1] : vector<1024x2000xf32> to vector<1024xf32>
    %broadcast_in_dim3A_126 = vector.shape_cast %reduce_min3A_125 : vector<1024xf32> to vector<1024x1xf32>
    %eq3A_127 = vector.broadcast %broadcast_in_dim3A_126 : vector<1024x1xf32> to vector<1024x2000xf32>
    %eq3A_128 = arith.cmpf oeq, %select_n3A_123, %eq3A_127 : vector<1024x2000xf32>
    %jit3A_129 = arith.constant 1073741824 : i32
    %broadcast_in_dim3A_130 = vector.broadcast %jit3A_129 : i32 to vector<1024x2000xi32>
    %select_n3A_131 = arith.select %eq3A_128, %iota3A, %broadcast_in_dim3A_130 : vector<1024x2000xi1>, vector<1024x2000xi32>
    %reduce_min3A_132 = arith.constant dense<2147483647> : vector<1024xi32>
    %reduce_min3A_133 = vector.multi_reduction <minsi>, %select_n3A_131, %reduce_min3A_132 [1] : vector<1024x2000xi32> to vector<1024xi32>
    %broadcast_in_dim3A_134 = vector.shape_cast %reduce_min3A_133 : vector<1024xi32> to vector<1024x1xi32>
    %reduce_min3A_135 = arith.constant dense<0x7F800000> : vector<1024xf32>
    %reduce_min3A_136 = vector.multi_reduction <minimumf>, %select_n3A_114, %reduce_min3A_135 [1] : vector<1024x16xf32> to vector<1024xf32>
    %broadcast_in_dim3A_137 = vector.shape_cast %reduce_min3A_136 : vector<1024xf32> to vector<1024x1xf32>
    %eq3A_138 = vector.broadcast %broadcast_in_dim3A_137 : vector<1024x1xf32> to vector<1024x16xf32>
    %eq3A_139 = arith.cmpf oeq, %select_n3A_114, %eq3A_138 : vector<1024x16xf32>
    %jit3A_140 = arith.constant 1073741824 : i32
    %broadcast_in_dim3A_141 = vector.broadcast %jit3A_140 : i32 to vector<1024x16xi32>
    %select_n3A_142 = arith.select %eq3A_139, %iota3A_26, %broadcast_in_dim3A_141 : vector<1024x16xi1>, vector<1024x16xi32>
    %reduce_min3A_143 = arith.constant dense<2147483647> : vector<1024xi32>
    %reduce_min3A_144 = vector.multi_reduction <minsi>, %select_n3A_142, %reduce_min3A_143 [1] : vector<1024x16xi32> to vector<1024xi32>
    %broadcast_in_dim3A_145 = vector.shape_cast %reduce_min3A_144 : vector<1024xi32> to vector<1024x1xi32>
    %eq3A_146 = vector.broadcast %broadcast_in_dim3A_145 : vector<1024x1xi32> to vector<1024x16xi32>
    %eq3A_147 = arith.cmpi eq, %iota3A_26, %eq3A_146 : vector<1024x16xi32>
    %jit3A_148 = arith.constant 1073741824 : i32
    %broadcast_in_dim3A_149 = vector.broadcast %jit3A_148 : i32 to vector<1024x16xi32>
    %select_n3A_150 = arith.select %eq3A_147, %get3A_25, %broadcast_in_dim3A_149 : vector<1024x16xi1>, vector<1024x16xi32>
    %reduce_min3A_151 = arith.constant dense<2147483647> : vector<1024xi32>
    %reduce_min3A_152 = vector.multi_reduction <minsi>, %select_n3A_150, %reduce_min3A_151 [1] : vector<1024x16xi32> to vector<1024xi32>
    %broadcast_in_dim3A_153 = vector.shape_cast %reduce_min3A_152 : vector<1024xi32> to vector<1024x1xi32>
    %le3A_154 = arith.cmpf ole, %broadcast_in_dim3A_137, %broadcast_in_dim3A_126 : vector<1024x1xf32>
    %select_n3A_155 = arith.select %le3A_154, %broadcast_in_dim3A_137, %broadcast_in_dim3A_126 : vector<1024x1xi1>, vector<1024x1xf32>
    %add3A_156 = vector.broadcast %mul3A_28 : i32 to vector<1024x1xi32>
    %add3A_157 = arith.addi %add3A_156, %broadcast_in_dim3A_134 : vector<1024x1xi32>
    %select_n3A_158 = arith.select %le3A_154, %broadcast_in_dim3A_153, %add3A_157 : vector<1024x1xi1>, vector<1024x1xi32>
    %eq3A_159 = vector.broadcast %broadcast_in_dim3A_145 : vector<1024x1xi32> to vector<1024x16xi32>
    %eq3A_160 = arith.cmpi eq, %iota3A_26, %eq3A_159 : vector<1024x16xi32>
    %and3A_161 = vector.broadcast %le3A_154 : vector<1024x1xi1> to vector<1024x16xi1>
    %and3A_162 = arith.andi %eq3A_160, %and3A_161 : vector<1024x16xi1>
    %jit3A_163 = arith.constant 0x7F800000 : f32
    %broadcast_in_dim3A_164 = vector.broadcast %jit3A_163 : f32 to vector<1024x16xf32>
    %select_n3A_165 = arith.select %and3A_162, %broadcast_in_dim3A_164, %select_n3A_114 : vector<1024x16xi1>, vector<1024x16xf32>
    %eq3A_166 = vector.broadcast %broadcast_in_dim3A_134 : vector<1024x1xi32> to vector<1024x2000xi32>
    %eq3A_167 = arith.cmpi eq, %iota3A, %eq3A_166 : vector<1024x2000xi32>
    %not3A_168 = arith.constant dense<true> : vector<1024x1xi1>
    %not3A_169 = arith.xori %le3A_154, %not3A_168 : vector<1024x1xi1>
    %and3A_170 = vector.broadcast %not3A_169 : vector<1024x1xi1> to vector<1024x2000xi1>
    %and3A_171 = arith.andi %eq3A_167, %and3A_170 : vector<1024x2000xi1>
    %jit3A_172 = arith.constant 0x7F800000 : f32
    %broadcast_in_dim3A_173 = vector.broadcast %jit3A_172 : f32 to vector<1024x2000xf32>
    %select_n3A_174 = arith.select %and3A_171, %broadcast_in_dim3A_173, %select_n3A_123 : vector<1024x2000xi1>, vector<1024x2000xf32>
    %reduce_min3A_175 = arith.constant dense<0x7F800000> : vector<1024xf32>
    %reduce_min3A_176 = vector.multi_reduction <minimumf>, %select_n3A_174, %reduce_min3A_175 [1] : vector<1024x2000xf32> to vector<1024xf32>
    %broadcast_in_dim3A_177 = vector.shape_cast %reduce_min3A_176 : vector<1024xf32> to vector<1024x1xf32>
    %eq3A_178 = vector.broadcast %broadcast_in_dim3A_177 : vector<1024x1xf32> to vector<1024x2000xf32>
    %eq3A_179 = arith.cmpf oeq, %select_n3A_174, %eq3A_178 : vector<1024x2000xf32>
    %jit3A_180 = arith.constant 1073741824 : i32
    %broadcast_in_dim3A_181 = vector.broadcast %jit3A_180 : i32 to vector<1024x2000xi32>
    %select_n3A_182 = arith.select %eq3A_179, %iota3A, %broadcast_in_dim3A_181 : vector<1024x2000xi1>, vector<1024x2000xi32>
    %reduce_min3A_183 = arith.constant dense<2147483647> : vector<1024xi32>
    %reduce_min3A_184 = vector.multi_reduction <minsi>, %select_n3A_182, %reduce_min3A_183 [1] : vector<1024x2000xi32> to vector<1024xi32>
    %broadcast_in_dim3A_185 = vector.shape_cast %reduce_min3A_184 : vector<1024xi32> to vector<1024x1xi32>
    %reduce_min3A_186 = arith.constant dense<0x7F800000> : vector<1024xf32>
    %reduce_min3A_187 = vector.multi_reduction <minimumf>, %select_n3A_165, %reduce_min3A_186 [1] : vector<1024x16xf32> to vector<1024xf32>
    %broadcast_in_dim3A_188 = vector.shape_cast %reduce_min3A_187 : vector<1024xf32> to vector<1024x1xf32>
    %eq3A_189 = vector.broadcast %broadcast_in_dim3A_188 : vector<1024x1xf32> to vector<1024x16xf32>
    %eq3A_190 = arith.cmpf oeq, %select_n3A_165, %eq3A_189 : vector<1024x16xf32>
    %jit3A_191 = arith.constant 1073741824 : i32
    %broadcast_in_dim3A_192 = vector.broadcast %jit3A_191 : i32 to vector<1024x16xi32>
    %select_n3A_193 = arith.select %eq3A_190, %iota3A_26, %broadcast_in_dim3A_192 : vector<1024x16xi1>, vector<1024x16xi32>
    %reduce_min3A_194 = arith.constant dense<2147483647> : vector<1024xi32>
    %reduce_min3A_195 = vector.multi_reduction <minsi>, %select_n3A_193, %reduce_min3A_194 [1] : vector<1024x16xi32> to vector<1024xi32>
    %broadcast_in_dim3A_196 = vector.shape_cast %reduce_min3A_195 : vector<1024xi32> to vector<1024x1xi32>
    %eq3A_197 = vector.broadcast %broadcast_in_dim3A_196 : vector<1024x1xi32> to vector<1024x16xi32>
    %eq3A_198 = arith.cmpi eq, %iota3A_26, %eq3A_197 : vector<1024x16xi32>
    %jit3A_199 = arith.constant 1073741824 : i32
    %broadcast_in_dim3A_200 = vector.broadcast %jit3A_199 : i32 to vector<1024x16xi32>
    %select_n3A_201 = arith.select %eq3A_198, %get3A_25, %broadcast_in_dim3A_200 : vector<1024x16xi1>, vector<1024x16xi32>
    %reduce_min3A_202 = arith.constant dense<2147483647> : vector<1024xi32>
    %reduce_min3A_203 = vector.multi_reduction <minsi>, %select_n3A_201, %reduce_min3A_202 [1] : vector<1024x16xi32> to vector<1024xi32>
    %broadcast_in_dim3A_204 = vector.shape_cast %reduce_min3A_203 : vector<1024xi32> to vector<1024x1xi32>
    %le3A_205 = arith.cmpf ole, %broadcast_in_dim3A_188, %broadcast_in_dim3A_177 : vector<1024x1xf32>
    %select_n3A_206 = arith.select %le3A_205, %broadcast_in_dim3A_188, %broadcast_in_dim3A_177 : vector<1024x1xi1>, vector<1024x1xf32>
    %add3A_207 = vector.broadcast %mul3A_28 : i32 to vector<1024x1xi32>
    %add3A_208 = arith.addi %add3A_207, %broadcast_in_dim3A_185 : vector<1024x1xi32>
    %select_n3A_209 = arith.select %le3A_205, %broadcast_in_dim3A_204, %add3A_208 : vector<1024x1xi1>, vector<1024x1xi32>
    %eq3A_210 = vector.broadcast %broadcast_in_dim3A_196 : vector<1024x1xi32> to vector<1024x16xi32>
    %eq3A_211 = arith.cmpi eq, %iota3A_26, %eq3A_210 : vector<1024x16xi32>
    %and3A_212 = vector.broadcast %le3A_205 : vector<1024x1xi1> to vector<1024x16xi1>
    %and3A_213 = arith.andi %eq3A_211, %and3A_212 : vector<1024x16xi1>
    %jit3A_214 = arith.constant 0x7F800000 : f32
    %broadcast_in_dim3A_215 = vector.broadcast %jit3A_214 : f32 to vector<1024x16xf32>
    %select_n3A_216 = arith.select %and3A_213, %broadcast_in_dim3A_215, %select_n3A_165 : vector<1024x16xi1>, vector<1024x16xf32>
    %eq3A_217 = vector.broadcast %broadcast_in_dim3A_185 : vector<1024x1xi32> to vector<1024x2000xi32>
    %eq3A_218 = arith.cmpi eq, %iota3A, %eq3A_217 : vector<1024x2000xi32>
    %not3A_219 = arith.constant dense<true> : vector<1024x1xi1>
    %not3A_220 = arith.xori %le3A_205, %not3A_219 : vector<1024x1xi1>
    %and3A_221 = vector.broadcast %not3A_220 : vector<1024x1xi1> to vector<1024x2000xi1>
    %and3A_222 = arith.andi %eq3A_218, %and3A_221 : vector<1024x2000xi1>
    %jit3A_223 = arith.constant 0x7F800000 : f32
    %broadcast_in_dim3A_224 = vector.broadcast %jit3A_223 : f32 to vector<1024x2000xf32>
    %select_n3A_225 = arith.select %and3A_222, %broadcast_in_dim3A_224, %select_n3A_174 : vector<1024x2000xi1>, vector<1024x2000xf32>
    %reduce_min3A_226 = arith.constant dense<0x7F800000> : vector<1024xf32>
    %reduce_min3A_227 = vector.multi_reduction <minimumf>, %select_n3A_225, %reduce_min3A_226 [1] : vector<1024x2000xf32> to vector<1024xf32>
    %broadcast_in_dim3A_228 = vector.shape_cast %reduce_min3A_227 : vector<1024xf32> to vector<1024x1xf32>
    %eq3A_229 = vector.broadcast %broadcast_in_dim3A_228 : vector<1024x1xf32> to vector<1024x2000xf32>
    %eq3A_230 = arith.cmpf oeq, %select_n3A_225, %eq3A_229 : vector<1024x2000xf32>
    %jit3A_231 = arith.constant 1073741824 : i32
    %broadcast_in_dim3A_232 = vector.broadcast %jit3A_231 : i32 to vector<1024x2000xi32>
    %select_n3A_233 = arith.select %eq3A_230, %iota3A, %broadcast_in_dim3A_232 : vector<1024x2000xi1>, vector<1024x2000xi32>
    %reduce_min3A_234 = arith.constant dense<2147483647> : vector<1024xi32>
    %reduce_min3A_235 = vector.multi_reduction <minsi>, %select_n3A_233, %reduce_min3A_234 [1] : vector<1024x2000xi32> to vector<1024xi32>
    %broadcast_in_dim3A_236 = vector.shape_cast %reduce_min3A_235 : vector<1024xi32> to vector<1024x1xi32>
    %reduce_min3A_237 = arith.constant dense<0x7F800000> : vector<1024xf32>
    %reduce_min3A_238 = vector.multi_reduction <minimumf>, %select_n3A_216, %reduce_min3A_237 [1] : vector<1024x16xf32> to vector<1024xf32>
    %broadcast_in_dim3A_239 = vector.shape_cast %reduce_min3A_238 : vector<1024xf32> to vector<1024x1xf32>
    %eq3A_240 = vector.broadcast %broadcast_in_dim3A_239 : vector<1024x1xf32> to vector<1024x16xf32>
    %eq3A_241 = arith.cmpf oeq, %select_n3A_216, %eq3A_240 : vector<1024x16xf32>
    %jit3A_242 = arith.constant 1073741824 : i32
    %broadcast_in_dim3A_243 = vector.broadcast %jit3A_242 : i32 to vector<1024x16xi32>
    %select_n3A_244 = arith.select %eq3A_241, %iota3A_26, %broadcast_in_dim3A_243 : vector<1024x16xi1>, vector<1024x16xi32>
    %reduce_min3A_245 = arith.constant dense<2147483647> : vector<1024xi32>
    %reduce_min3A_246 = vector.multi_reduction <minsi>, %select_n3A_244, %reduce_min3A_245 [1] : vector<1024x16xi32> to vector<1024xi32>
    %broadcast_in_dim3A_247 = vector.shape_cast %reduce_min3A_246 : vector<1024xi32> to vector<1024x1xi32>
    %eq3A_248 = vector.broadcast %broadcast_in_dim3A_247 : vector<1024x1xi32> to vector<1024x16xi32>
    %eq3A_249 = arith.cmpi eq, %iota3A_26, %eq3A_248 : vector<1024x16xi32>
    %jit3A_250 = arith.constant 1073741824 : i32
    %broadcast_in_dim3A_251 = vector.broadcast %jit3A_250 : i32 to vector<1024x16xi32>
    %select_n3A_252 = arith.select %eq3A_249, %get3A_25, %broadcast_in_dim3A_251 : vector<1024x16xi1>, vector<1024x16xi32>
    %reduce_min3A_253 = arith.constant dense<2147483647> : vector<1024xi32>
    %reduce_min3A_254 = vector.multi_reduction <minsi>, %select_n3A_252, %reduce_min3A_253 [1] : vector<1024x16xi32> to vector<1024xi32>
    %broadcast_in_dim3A_255 = vector.shape_cast %reduce_min3A_254 : vector<1024xi32> to vector<1024x1xi32>
    %le3A_256 = arith.cmpf ole, %broadcast_in_dim3A_239, %broadcast_in_dim3A_228 : vector<1024x1xf32>
    %select_n3A_257 = arith.select %le3A_256, %broadcast_in_dim3A_239, %broadcast_in_dim3A_228 : vector<1024x1xi1>, vector<1024x1xf32>
    %add3A_258 = vector.broadcast %mul3A_28 : i32 to vector<1024x1xi32>
    %add3A_259 = arith.addi %add3A_258, %broadcast_in_dim3A_236 : vector<1024x1xi32>
    %select_n3A_260 = arith.select %le3A_256, %broadcast_in_dim3A_255, %add3A_259 : vector<1024x1xi1>, vector<1024x1xi32>
    %broadcast_in_dim3A_261 = arith.constant 0x7F800000 : f32
    %broadcast_in_dim3A_262 = vector.broadcast %broadcast_in_dim3A_261 : f32 to vector<1024x11xf32>
    %concatenate3A = tpu.concatenate %select_n3A_55, %select_n3A_104, %select_n3A_155, %select_n3A_206, %select_n3A_257, %broadcast_in_dim3A_262 in 1 : vector<1024x1xf32>, vector<1024x1xf32>, vector<1024x1xf32>, vector<1024x1xf32>, vector<1024x1xf32>, vector<1024x11xf32> -> vector<1024x16xf32>
    %broadcast_in_dim3A_263 = arith.constant 0 : i32
    %broadcast_in_dim3A_264 = vector.broadcast %broadcast_in_dim3A_263 : i32 to vector<1024x11xi32>
    %concatenate3A_265 = tpu.concatenate %select_n3A_58, %select_n3A_107, %select_n3A_158, %select_n3A_209, %select_n3A_260, %broadcast_in_dim3A_264 in 1 : vector<1024x1xi32>, vector<1024x1xi32>, vector<1024x1xi32>, vector<1024x1xi32>, vector<1024x1xi32>, vector<1024x11xi32> -> vector<1024x16xi32>
    %swap3A = arith.constant 0 : index
    %swap3A_266 = arith.constant 0 : index
    %swap3A_267 = vector.load %arg7[%swap3A, %swap3A_266] : memref<1024x16xf32, #tpu.memory_space<vmem>>, vector<1024x16xf32>
    tpu.vector_store %arg7[%swap3A, %swap3A_266], %concatenate3A {strides = array<i32>} : memref<1024x16xf32, #tpu.memory_space<vmem>>, vector<1024x16xf32>,
    %swap3A_268 = arith.constant 0 : index
    %swap3A_269 = arith.constant 0 : index
    %swap3A_270 = vector.load %arg8[%swap3A_268, %swap3A_269] : memref<1024x16xi32, #tpu.memory_space<vmem>>, vector<1024x16xi32>
    tpu.vector_store %arg8[%swap3A_268, %swap3A_269], %concatenate3A_265 {strides = array<i32>} : memref<1024x16xi32, #tpu.memory_space<vmem>>, vector<1024x16xi32>,
    %eq3A_271 = arith.constant 49 : i32
    %eq3A_272 = arith.cmpi eq, %arg0, %eq3A_271 : i32
    %convert_element_type3A_273 = arith.extui %eq3A_272 : i1 to i32
    %cond3A_274 = arith.constant 0 : i32
    %cond3A_275 = arith.cmpi ne, %convert_element_type3A_273, %cond3A_274 : i32
    scf.if %cond3A_275 {
      %mul3A_276 = arith.constant -5.000000e-01 : f32
      %mul3A_277 = vector.broadcast %mul3A_276 : f32 to vector<1024x16xf32>
      %mul3A_278 = arith.mulf %concatenate3A, %mul3A_277 : vector<1024x16xf32>
      %exp3A = math.exp %mul3A_278 : vector<1024x16xf32>
      %swap3A_279 = arith.constant 0 : index
      %swap3A_280 = arith.constant 0 : index
      %swap3A_281 = vector.load %arg5[%swap3A_279, %swap3A_280] : memref<1024x16xf32, #tpu.memory_space<vmem>>, vector<1024x16xf32>
      tpu.vector_store %arg5[%swap3A_279, %swap3A_280], %exp3A {strides = array<i32>} : memref<1024x16xf32, #tpu.memory_space<vmem>>, vector<1024x16xf32>,
      %swap3A_282 = arith.constant 0 : index
      %swap3A_283 = arith.constant 0 : index
      %swap3A_284 = vector.load %arg6[%swap3A_282, %swap3A_283] : memref<1024x16xi32, #tpu.memory_space<vmem>>, vector<1024x16xi32>
      tpu.vector_store %arg6[%swap3A_282, %swap3A_283], %concatenate3A_265 {strides = array<i32>} : memref<1024x16xi32, #tpu.memory_space<vmem>>, vector<1024x16xi32>,
    } else {
    }
    return
  }
  func.func @transform_0(%arg0: i32) -> (i32, i32) {
    %c0_i32 = arith.constant 0 : i32
    %c0_i32_0 = arith.constant 0 : i32
    %c0_i32_1 = arith.constant 0 : i32
    return %c0_i32, %c0_i32_0 : i32, i32
  }
  func.func @transform_1(%arg0: i32) -> (i32, i32) {
    %c0_i32 = arith.constant 0 : i32
    %c0_i32_0 = arith.constant 0 : i32
    %c0_i32_1 = arith.constant 0 : i32
    return %c0_i32, %c0_i32_0 : i32, i32
  }
  func.func @transform_2(%arg0: i32) -> (i32, i32) {
    %c0_i32 = arith.constant 0 : i32
    %c0_i32_0 = arith.constant 0 : i32
    return %arg0, %c0_i32 : i32, i32
  }
  func.func @transform_3(%arg0: i32) -> (i32, i32, i32) {
    %c0_i32 = arith.constant 0 : i32
    %c0_i32_0 = arith.constant 0 : i32
    %c0_i32_1 = arith.constant 0 : i32
    return %arg0, %c0_i32, %c0_i32_0 : i32, i32, i32
  }
  func.func @transform_4(%arg0: i32) -> (i32, i32) {
    %c0_i32 = arith.constant 0 : i32
    %c0_i32_0 = arith.constant 0 : i32
    %c0_i32_1 = arith.constant 0 : i32
    return %c0_i32, %c0_i32_0 : i32, i32
  }
  func.func @transform_5(%arg0: i32) -> (i32, i32) {
    %c0_i32 = arith.constant 0 : i32
    %c0_i32_0 = arith.constant 0 : i32
    %c0_i32_1 = arith.constant 0 : i32
    return %c0_i32, %c0_i32_0 : i32, i32
  }
}

</mosaic_0001>

<sc_bundles>
// kernel: kernel.4.cloned.1.call-start
scs
__scs_entry_jumppad:
0x0: {  	(pc) =	sbr.rel $0x88, $3  }
0x1: {  	(tag) =	ssettag $0x0;
	lr =	simm.s32 $0x1  }
0x2: {  	[smem:$0x3F9C] =	sst lr;
	_ =	strace $0xD0000000  }
0x3: {  	_ = 	snop  }
0x4: {  	_ = 	snop  }
0x5: {  	_ = 	snop  }
0x6: {  	_ = 	snop  }
0x7: {  	_ = 	snop  }
__scs_overlays_trampoline_lowered:
0x8: {  	[smem:$0x3FAB] =	sst s0  }
0x9: {  	[smem:$0x3FAC] =	sst s1  }
0xa: {  	[smem:$0x3FAD] =	sst s2  }
0xb: {  	[smem:$0x3FAE] =	sst s3  }
0xc: {  	[smem:$0x3FAF] =	sst s4  }
0xd: {  	[smem:$0x3FB0] =	sst s5  }
0xe: {  	[smem:$0x3FB1] =	sst s6  }
0xf: {  	[smem:$0x3FB2] =	sst s7  }
0x10: {  	[smem:$0x3FB3] =	sst s8  }
0x11: {  	[smem:$0x3FB4] =	sst s9;
	s0 =	simm.s32 @!p0 $0x0  }
0x12: {  	s1 =	sld [smem:$0x3F9A];
	s0 =	simm.s32 @p0 $0x1  }
0x13: {  	[smem:$0x3FB5] =	sst s0;
	s0 =	simm.s32 @!p1 $0x0  }
0x14: {  	s2 =	sld [smem:$0x3F99];
	s0 =	simm.s32 @p1 $0x1  }
0x15: {  	[smem:$0x3FB6] =	sst s0;
	s0 =	simm.s32 @!p2 $0x0  }
0x16: {  	s3 =	sld [smem:$0x3FDB];
	s0 =	simm.s32 @p2 $0x1  }
0x17: {  	s4 =	simm.s32 $0x1BF5;
	[smem:$0x3FB8] =	sst s0  }
0x18: {  	s0 =	sld [smem:$0x3F9B];
	_ =	swait.ge [sflag:s4], $0x0  }
0x19: {  	s7 =	sld [smem:$0x3F9C]  }
0x1a: {  	s8 =	sadd.s32 $0xFFFFE003, lr  }
0x1b: {  	s9 =	sadd.s32 $0xFFFFFEF7, lr;
	s5 =	simm.s32 $0xFFFFFFFF;
	p2 =	slt.u32 s8, $0xFFFFF086  }
0x1c: {  	p1 =	slt.u32 s9, $0xF7A;
	s5 =	simm.s32 @!p2 $0x0  }
0x1d: {  	s5 =	simm.s32 @p1 $0x1;
	p0 =	seq.s32 s7, s2  }
0x1e: {  	s7 =	smul.u32 @!p0 $0xF7A, s2;
	p2 =	seq.s32 @!p0 s5, $0x0  }
0x1f: {  	s9 =	smul.u32 $0xF7A, s1;
	s8 =	simm.s32 @!p0 $0x1BF5;
	p2 =	por !p2, p0  }
0x20: {  	[sflag:s8] =	ssyncset.s32 @!p0 $0xFFFFF086;
	s6 =	sadd.s32 @!p0 s3, s7;
	s7 =	simm.s32 @!p0 $0x108  }
0x21: {  	s3 =	sadd.s32 s3, s9;
	s6 =	sadd.s32 @!p0 $0x88, s6;
	s7 =	simm.s32 @p2 $0x1082  }
0x22: {  	[simem:s7], [sflag:s8] =	dma.local @!p0 [hbm:s6], $0xF7A  }
0x23: {  	s9 =	sor.u32 $0xD0000000, s2;
	s6 =	simm.s32 $0x108;
	_ =	swait.ge @!p0 [sflag:s8], $0x0  }
0x24: {  	s3 =	sadd.s32 $0x88, s3;
	s6 =	simm.s32 @!p1 $0x1082;
	[sflag:s4] =	ssyncset.s32 $0xFFFFF086  }
0x25: {  	[simem:s6], [sflag:s4] =	dma.local [hbm:s3], $0xF7A  }
0x26: {  	[smem:$0x3F9C] =	sst s1;
	(tag) =	ssettag s2;
	_ =	strace s9  }
0x27: {  	s1 =	sld [smem:$0x3FAC]  }
0x28: {  	s2 =	sld [smem:$0x3FAD]  }
0x29: {  	s4 =	sld [smem:$0x3FAF]  }
0x2a: {  	p0 =	seq.s32 s5, $0x0;
	s5 =	sld [smem:$0x3FB0]  }
0x2b: {  	s6 =	sld [smem:$0x3FB1]  }
0x2c: {  	s7 =	sld [smem:$0x3FB2]  }
0x2d: {  	s3 =	simm.s32 $0x108;
	s8 =	sld [smem:$0x3FB3]  }
0x2e: {  	s3 =	simm.s32 @!p0 $0x1082;
	s9 =	sld [smem:$0x3FB4]  }
0x2f: {  	lr =	sadd.s32 s0, s3;
	s0 =	sld [smem:$0x3FAB]  }
0x30: {  	s3 =	sld [smem:$0x3FAE]  }
0x31: {  	[smem:$0x3FB7] =	sst s10  }
0x32: {  	s10 =	sld [smem:$0x3FB5];
	_ =	sdelay $0x3  }
0x33: {  	p0 =	seq.s32 s10, $0x1;
	s10 =	sld [smem:$0x3FB7];
	_ =	sdelay $0x3  }
0x34: {  	[smem:$0x3FB7] =	sst s10  }
0x35: {  	s10 =	sld [smem:$0x3FB6];
	_ =	sdelay $0x3  }
0x36: {  	p1 =	seq.s32 s10, $0x1;
	s10 =	sld [smem:$0x3FB7];
	_ =	sdelay $0x3  }
0x37: {  	[smem:$0x3FB7] =	sst s10  }
0x38: {  	s10 =	sld [smem:$0x3FB8]  }
0x39: {  	_ = 	snop;
	(pc) =	sbr.ind lr, $3  }
0x3a: {  	_ = 	snop  }
0x3b: {  	_ = 	snop  }
0x3c: {  	p2 =	seq.s32 s10, $0x1;
	s10 =	sld [smem:$0x3FB7]  }
0x3d: {  	_ =	shalt  }
0x3e: {  	_ =	shalt  }
0x3f: {  	_ =	shalt  }
0x40: {  	_ =	shalt  }
0x41: {  	_ =	shalt  }
0x42: {  	_ =	shalt  }
0x43: {  	_ =	shalt  }
0x44: {  	_ =	shalt  }
0x45: {  	_ =	shalt  }
0x46: {  	_ =	shalt  }
0x47: {  	_ =	shalt  }
0x48: {  	_ =	shalt  }
0x49: {  	_ =	shalt  }
0x4a: {  	_ =	shalt  }
0x4b: {  	_ =	shalt  }
0x4c: {  	_ =	shalt  }
0x4d: {  	_ =	shalt  }
0x4e: {  	_ =	shalt  }
0x4f: {  	_ =	shalt  }
0x50: {  	_ =	shalt  }
0x51: {  	_ =	shalt  }
0x52: {  	_ =	shalt  }
0x53: {  	_ =	shalt  }
0x54: {  	_ =	shalt  }
0x55: {  	_ =	shalt  }
0x56: {  	_ =	shalt  }
0x57: {  	_ =	shalt  }
0x58: {  	_ =	shalt  }
0x59: {  	_ =	shalt  }
0x5a: {  	_ =	shalt  }
0x5b: {  	_ =	shalt  }
0x5c: {  	_ =	shalt  }
0x5d: {  	_ =	shalt  }
0x5e: {  	_ =	shalt  }
0x5f: {  	_ =	shalt  }
0x60: {  	_ =	shalt  }
0x61: {  	_ =	shalt  }
0x62: {  	_ =	shalt  }
0x63: {  	_ =	shalt  }
0x64: {  	_ =	shalt  }
0x65: {  	_ =	shalt  }
0x66: {  	_ =	shalt  }
0x67: {  	_ =	shalt  }
0x68: {  	_ =	shalt  }
0x69: {  	_ =	shalt  }
0x6a: {  	_ =	shalt  }
0x6b: {  	_ =	shalt  }
0x6c: {  	_ =	shalt  }
0x6d: {  	_ =	shalt  }
0x6e: {  	_ =	shalt  }
0x6f: {  	_ =	shalt  }
0x70: {  	_ =	shalt  }
0x71: {  	_ =	shalt  }
0x72: {  	_ =	shalt  }
0x73: {  	_ =	shalt  }
0x74: {  	_ =	shalt  }
0x75: {  	_ =	shalt  }
0x76: {  	_ =	shalt  }
0x77: {  	_ =	shalt  }
0x78: {  	_ =	shalt  }
0x79: {  	_ =	shalt  }
0x7a: {  	_ =	shalt  }
0x7b: {  	_ =	shalt  }
0x7c: {  	_ =	shalt  }
0x7d: {  	_ =	shalt  }
0x7e: {  	_ =	shalt  }
0x7f: {  	_ =	shalt  }
0x80: {  	_ =	shalt  }
0x81: {  	_ =	shalt  }
0x82: {  	_ =	shalt  }
0x83: {  	_ =	shalt  }
0x84: {  	_ =	shalt  }
0x85: {  	_ =	shalt  }
0x86: {  	_ =	shalt  }
0x87: {  	_ =	shalt  }
.Lfunc_end0:
.L_simem_size_0:
called_computation_lowered:
.L_overlay_start_0:
0x88: {  	s2 =	sld [smem:$0x3FD9]  }
0x89: {  	s3 =	sld [smem:$0x3FFE];
	_ =	sdelay $0x1  }
0x8a: {  	s1 =	srdreg.scid  }
0x8b: {  	s0 =	sand.u32 $0x1, s1  }
0x8c: {  	s14 =	sshll.u32 s0, $0xA;
	s2 =	sadd.s32 s3, s2  }
0x8d: {  	s2 =	sadd.s32 s2, s14  }
0x8e: {  	[smem:$0x3FC3] =	sst s2  }
0x8f: {  	_ = 	snop  }
0x90: {  	s2 =	sld [smem:$0x3FD0];
	_ =	sdelay $0x2  }
0x91: {  	s15 =	simm.s32 $0xA;
	s4 =	simm.s32 $0x10  }
0x92: {  	[smem:s4], [sflag:s15] =	dma.local [hbm:s2], $0x1  }
0x93: {  	_ =	swait.eq [sflag:s15], $0x1  }
0x94: {  	[sflag:s15] =	ssyncset.done $0x0  }
0x95: {  	[sflag:s15] =	ssyncadd.s32 $0xFFFFFFFF  }
0x96: {  	s16 =	sld [smem:$0x11];
	(tm) =	ssettm $0x1  }
0x97: {  	s17 =	sld [smem:$0x3FFB];
	_ =	sdelay $0x3  }
0x98: {  	_ =	strace s17  }
0x99: {  	s3 =	sld [smem:$0x3FFC];
	_ =	sdelay $0x3  }
0x9a: {  	_ =	strace s3  }
0x9b: {  	s3 =	sld [smem:$0x3FFD];
	_ =	sdelay $0x3  }
0x9c: {  	_ =	strace s3  }
0x9d: {  	_ =	strace $0x8FFFFFFF  }
0x9e: {  	s18 =	sld [smem:$0x3FDB];
	_ =	sdelay $0x1  }
0x9f: {  	s19 =	simm.s32 $_scs_section_size  }
0xa0: {  	s5 =	simm.s32 $_size__tile_overlayer_lowered;
	s6 =	simm.s32 $_tile_overlayer_lowered  }
0xa1: {  	s22 =	simm.s32 $0x1BFF;
	s21 =	sshll.u32 s6, $0x1;
	s3 =	sadd.s32 s19, s18  }
0xa2: {  	s7 =	simm.s32 $0x0;
	s20 =	sshll.u32 s5, $0x1;
	s5 =	sadd.s32 s21, s3  }
0xa3: {  	[timem:s7], [sflag:s22] =	dma.local [hbm:s5], s20  }
0xa4: {  	_ =	swait.ge [sflag:s22], s20  }
0xa5: {  	s4 =	ssub.s32 $0x0, s20;
	[sflag:s22] =	ssyncset.done $0x0  }
0xa6: {  	[sflag:s22] =	ssyncadd.s32 s4;
	_ =	sdelay $0x1  }
0xa7: {  	s23 =	simm.s32 $0x1B8B  }
0xa8: {  	_ =	swait.ge [sflag:s23], $0x1  }
0xa9: {  	[sflag:s23] =	ssyncset.done $0x0  }
0xaa: {  	s25 =	simm.s32 $0x1B8E;
	s24 =	sld [smem:$0x3FFE];
	[sflag:s23] =	ssyncadd.s32 $0xFFFFFFFF  }
0xab: {  	s26 =	simm.s32 $execute0_lowered;
	[smem:$0x3FD2] =	sst s25  }
0xac: {  	s5 =	sshll.u32 s26, $0x1;
	_ =	strace $0x80000046;
	[dreg:$0x1] =	wrdreg $0xFFFFFFFF  }
0xad: {  	s28 =	simm.s32 $_size_execute0_lowered;
	s3 =	sadd.s32 s3, s5;
	[dreg:$0x0] =	wrdreg $0x0  }
0xae: {  	s5 =	sshll.u32 s28, $0x1;
	[dreg:$0x2] =	wrdreg s3  }
0xaf: {  	[dreg:$0x3] =	wrdreg s5  }
0xb0: {  	[dreg:$0x4] =	wrdreg $0xC0  }
0xb1: {  	_ =	task [dreg:s7], $0x5FFFF  }
0xb2: {  	[dreg:$0x1] =	wrdreg $0xFFFFFFFF  }
0xb3: {  	[dreg:$0x0] =	wrdreg $0x60  }
0xb4: {  	[dreg:$0x2] =	wrdreg s16  }
0xb5: {  	[dreg:$0x3] =	wrdreg s24  }
0xb6: {  	[dreg:$0x4] =	wrdreg $0x9  }
0xb7: {  	_ =	task.clear_ibuf [dreg:s7], $0x5FFFF;
	_ =	strace $0x90000046  }
0xb8: {  	s29 =	simm.s32 $0x9;
	_ =	strace $0x80000048  }
0xb9: {  	_ =	swait.ge [sflag:s29], $0x1  }
0xba: {  	[sflag:s29] =	ssyncadd.s32 $0xFFFFFFFF  }
0xbb: {  	_ =	strace $0x90000048  }
0xbc: {  	_ =	sfence  }
0xbd: {  	s30 =	sld [smem:$0x0];
	_ =	sdelay $0x2  }
0xbe: {  	s31 =	sshll.u32 s1, $0xD;
	s1 =	sshrl.u32 s1, $0x2  }
0xbf: {  	s3 =	sand.u32 $0x4000, s31;
	s1 =	sadd.s32 s1, s30  }
0xc0: {  	s0 =	sor.u32 s3, s0;
	s1 =	sshll.u32 s1, $0x11  }
0xc1: {  	s0 =	sor.u32 s1, s0  }
0xc2: {  	s0 =	sadd.s32 $0x8F2B, s0  }
0xc3: {  	[sflag:s0] =	ssyncadd.remote.s32 $0x1  }
0xc4: {  	_ =	sfence.sel $0xFFFF  }
0xc5: {  	[dreg:$0x0] =	wrdreg $0xFFFFFFFF;
	(pc) =	sbr.abs _section_cstart, $3  }
0xc6: {  	[dreg:$0x1] =	wrdreg $0xFFFFFFFF  }
0xc7: {  	_ =	task.clear_ibuf [dreg:s7], $0x2FFFF;
	_ =	strace $0x9FFFFFFF  }
0xc8: {  	(tm) =	ssettm $0x7FFFFFFF  }
0xc9: {  	_ =	shalt  }
tec
execute0_lowered:
.L_overlay_start_1:
0x0: {  	(tag) =	ssettag $0x1  }
0x1: {  	s1 =	srdreg.scid  }
0x2: {  	s0 =	stileid.u32;
	s3 =	rddreg [dreg:$0x0]  }
0x3: {  	s9 =	rddreg [dreg:$0x1];
	s6 =	sand.u32 $0x1, s1;
	s30 =	sshll.u32 s0, $0x1  }
0x4: {  	s2 =	simm.s32 $0x0;
	s1 =	rddreg [dreg:$0x2];
	s7 =	sor.u32 s6, s30  }
0x5: {  	s8 =	simm.s32 $0x1;
	[smem:$0x7FF] =	sst s2;
	s4 =	smul.u32 $0x14, s7  }
0x6: {  	s5 =	sadd.s32 $0x18A600, s9;
	_ =	strace $0x80000047;
	s11 =	ssub.s32 $0x2, s6  }
0x7: {  	s6 =	simm.s32 $0xA0;
	s4 =	sadd.s32 s3, s4;
	s3 =	simm.s32 $0x2  }
0x8: {  	[tilespmem:s2], [sflag:$0x2] =	stream.linear.gather [hbm4b:s4+s2], $0xA0, $0x38;
	[tilespmem:$0x5100] =	vst v63  }
0x9: {  	s10 =	smul.u32 $0xA00, s7;
	s12 =	sshrl.u32 s11, $0x1;
	_ =	swait.ge [sflag:s3], $0xA0  }
0xa: {  	s7 =	simm.s32 $0x100;
	s31 =	ssub.s32 s11, s12;
	[sflag:s3] =	ssyncset.done $0x0  }
0xb: {  	s9 =	sadd.s32 s10, s9;
	s10 =	smax.u32 s31, $0x1;
	[sflag:s3] =	ssyncadd.s32 $0xFFFFFF60  }
0xc: {  	[tilespmem:s7], [sflag:$0x1] =	stream.indirect.gather [hbm4b:s5+s6], $0x80, s2, s6, $0xb8;
	[tilespmem:$0x5100] =	vst v63  }
0xd: {  	p0 =	sne.s32 s10, $0x1;
	_ =	swait.ge [sflag:s8], $0x5000  }
.Ltmp0:
0xe: {  	[sflag:s8] =	ssyncset.done $0x0;
	(pc) =	sbr.rel @!p0 .LBB2_2-.Ltmp0, $4  }
0xf: {  	s9 =	sadd.s32 $0x3C00, s9;
	[sflag:s8] =	ssyncadd.s32 $0xFFFFB000  }
0x10: {  	[hbm4b:s9+s2] =	stream.linear.scatter [tilespmem:s7], [sflag:$0x2], $0x5000, $0x38;
	[tilespmem:$0x5100] =	vst v63  }
0x11: {  	_ =	swait.ge [sflag:s3], $0x5000  }
0x12: {  	s10 =	sadd.s32 $0xFFFFFFFF, s10;
	[sflag:s3] =	ssyncset.done $0x0  }
.LBB2_1:
0x13: {  	p0 =	sne.s32 s10, $0x1;
	s10 =	sadd.s32 $0xFFFFFFFF, s10;
	[sflag:s3] =	ssyncadd.s32 $0xFFFFB000  }
0x14: {  	[tilespmem:s2], [sflag:$0x2] =	stream.linear.gather [hbm4b:s4+s2], $0xA0, $0x38;
	[tilespmem:$0x5100] =	vst v63  }
0x15: {  	_ =	swait.ge [sflag:s3], $0xA0  }
0x16: {  	[sflag:s3] =	ssyncset.done $0x0  }
0x17: {  	[sflag:s3] =	ssyncadd.s32 $0xFFFFFF60  }
0x18: {  	[tilespmem:s7], [sflag:$0x1] =	stream.indirect.gather [hbm4b:s5+s6], $0x80, s2, s6, $0xb8;
	[tilespmem:$0x5100] =	vst v63  }
0x19: {  	_ =	swait.ge [sflag:s8], $0x5000  }
.Ltmp1:
0x1a: {  	[sflag:s8] =	ssyncset.done $0x0;
	(pc) =	sbr.rel @p0 .LBB2_1-.Ltmp1, $4  }
0x1b: {  	[sflag:s8] =	ssyncadd.s32 $0xFFFFB000  }
0x1c: {  	[hbm4b:s9+s2] =	stream.linear.scatter [tilespmem:s7], [sflag:$0x2], $0x5000, $0x38;
	[tilespmem:$0x5100] =	vst v63  }
0x1d: {  	_ =	swait.ge [sflag:s3], $0x5000  }
0x1e: {  	[sflag:s3] =	ssyncset.done $0x0  }
.LBB2_2:
0x1f: {  	[sflag:s3] =	ssyncadd.s32 $0xFFFFB000  }
0x20: {  	_ =	sfence.sel $0x180000  }
0x21: {  	[bflag:$0x0] =	sbarrier.arrive $0xFFFF  }
0x22: {  	p0 =	sne.s32 s0, $0x0;
	_ =	strace $0x90000047  }
0x23: {  	s0 =	sadd.s32 @!p0 $0x100000, s1;
	[bflag:$0x2] =	sbarrier.arrive $0xFFFF  }
0x24: {  	[sflag:s0] =	ssyncadd.tile.s32 @!p0 $0x1;
	_ =	shalt  }
.Lfunc_end2:
_tile_overlayer_lowered:
.L_overlay_start_2:
0x25: {  	(tag) =	ssettag $0x2  }
0x26: {  	s0 =	rddreg [dreg:$0x0];
	s2 =	stileid.u32  }
0x27: {  	s1 =	rddreg [dreg:$0x1];
	p0 =	sne.s32 s2, $0x0  }
0x28: {  	s3 =	rddreg [dreg:$0x2];
	[bflag:$0x3] =	sbarrier.arrive $0xFFFF;
	s2 =	simm.s32 @!p0 $0x1C02  }
0x29: {  	[timem:s3], [sflag:s2] =	dma.local @!p0 [hbm:s0], s1  }
0x2a: {  	s0 =	simm.s32 @!p0 $0x2  }
0x2b: {  	_ =	swait.ge @!p0 [sflag:s0], s1  }
0x2c: {  	s1 =	ssub.s32 @!p0 $0x0, s1;
	[sflag:s0] =	ssyncset.done @!p0 $0x0  }
0x2d: {  	[sflag:s0] =	ssyncadd.s32 @!p0 s1  }
0x2e: {  	[bflag:$0x3] =	sbarrier.arrive $0xFFFF  }
0x2f: {  	_ =	shalt  }

</sc_bundles>
